<compile_context>
chip_gen: v7x
topology: tpu7x:2x2x1
jax: 0.10.2.dev20260603
libtpu: 0.0.44.dev20260713+nightly
codegen_flags: <defaults>
</compile_context>

<pallas_src>
import functools

import jax
import jax.numpy as jnp
from jax import lax
from jax.experimental import pallas as pl
from jax.experimental.pallas import tpu as pltpu
from jax.experimental.pallas import tpu_sc as plsc

B = 16384
D = 64
NUM_PTM = 26
PER = 128
K = NUM_PTM * PER
COMMIT = 0.25
TEMP = 0.07
SAMPLED = int(0.1 * PER) * NUM_PTM
SPAD = 384

TB = 2048
DPAD = 128
N_SC_CORES = 2
N_SC_SUBCORES = 16
NW = N_SC_CORES * N_SC_SUBCORES
BPW = B // NW


def _tc_body(x_ref, q_ref, tab_ref, e2_ref, sidx_ref,
             idx_ref, tablen_ref, lsum_ref, ul_ref):
    step = pl.program_id(0)

    xr = x_ref[...]
    norm = jnp.sqrt(jnp.sum(xr * xr, axis=1, keepdims=True))
    xn = xr / jnp.maximum(norm, 1e-12)
    c = jnp.sum(xn * xn, axis=1, keepdims=True)

    s = lax.dot_general(xn, tab_ref[...], (((1,), (1,)), ((), ())),
                        preferred_element_type=jnp.float32)
    d2 = (c + e2_ref[...]) - 2.0 * s

    coltype = lax.broadcasted_iota(jnp.int32, (1, K), 1) // PER
    mask = coltype == q_ref[...]
    inf = jnp.float32(jnp.inf)
    d2m = jnp.where(mask, d2, inf)
    m = jnp.min(d2m, axis=1, keepdims=True)
    lane = lax.broadcasted_iota(jnp.int32, (TB, K), 1)
    idx = jnp.min(jnp.where(d2m == m, lane, K), axis=1)
    idx_ref[...] = idx[:, None]

    @pl.when(step == 0)
    def _():
        lsum_ref[...] = jnp.zeros_like(lsum_ref)
        tab = tab_ref[...]
        tn = tab / jnp.maximum(
            jnp.sqrt(jnp.sum(tab * tab, axis=1, keepdims=True)), 1e-12)
        tablen_ref[...] = jnp.concatenate(
            [tn, jnp.zeros((K, DPAD - D), jnp.float32)], axis=1)
        si = sidx_ref[...]
        onehot = (si.reshape(SPAD, 1)
                  == lax.broadcasted_iota(jnp.int32, (SPAD, K), 1))
        se = lax.dot_general(onehot.astype(jnp.float32), tn,
                             (((1,), (0,)), ((), ())),
                             preferred_element_type=jnp.float32,
                             precision=lax.Precision.HIGHEST)
        sim = lax.dot_general(se, se, (((1,), (1,)), ((), ())),
                              preferred_element_type=jnp.float32,
                              precision=lax.Precision.HIGHEST)
        valid = si.reshape(1, SPAD) >= 0
        eye = (lax.broadcasted_iota(jnp.int32, (SPAD, SPAD), 0)
               == lax.broadcasted_iota(jnp.int32, (SPAD, SPAD), 1))
        keep = valid & jnp.logical_not(eye)
        simm = jnp.where(keep, sim, -jnp.float32(jnp.inf))
        ex = jnp.exp(simm / TEMP)
        sum_exp = jnp.sum(ex, axis=1, keepdims=True)
        labels = jnp.where(si >= 0, si // PER, -1)
        pos = labels.reshape(SPAD, 1) == labels.reshape(1, SPAD)
        pos_sum = jnp.sum(jnp.where(pos, ex, 0.0), axis=1, keepdims=True)
        validc = si.reshape(SPAD, 1) >= 0
        ratio = jnp.where(validc, pos_sum / jnp.maximum(sum_exp, 1e-30), 1.0)
        ul = -jnp.sum(jnp.log(ratio)) / SAMPLED
        ul_ref[...] = jnp.full((1, 1), ul, dtype=jnp.float32)

    lsum_ref[...] += jnp.sum(m).reshape(1, 1)


def _tc_call(x, q2, table, e2, sidx, interpret=False):
    grid = B // TB
    return pl.pallas_call(
        _tc_body,
        grid=(grid,),
        in_specs=[
            pl.BlockSpec((TB, D), lambda i: (i, 0)),
            pl.BlockSpec((TB, 1), lambda i: (i, 0)),
            pl.BlockSpec((K, D), lambda i: (0, 0)),
            pl.BlockSpec((1, K), lambda i: (0, 0)),
            pl.BlockSpec((1, SPAD), lambda i: (0, 0)),
        ],
        out_specs=[
            pl.BlockSpec((TB, 1), lambda i: (i, 0)),
            pl.BlockSpec((K, DPAD), lambda i: (0, 0)),
            pl.BlockSpec((1, 1), lambda i: (0, 0)),
            pl.BlockSpec((1, 1), lambda i: (0, 0)),
        ],
        out_shape=[
            jax.ShapeDtypeStruct((B, 1), jnp.int32),
            jax.ShapeDtypeStruct((K, DPAD), jnp.float32),
            jax.ShapeDtypeStruct((1, 1), jnp.float32),
            jax.ShapeDtypeStruct((1, 1), jnp.float32),
        ],
        interpret=interpret,
    )(x, q2, table, e2, sidx)


def _sc_gather(tablen, idx):
    mesh = plsc.VectorSubcoreMesh(core_axis_name="c", subcore_axis_name="s")

    @functools.partial(
        pl.kernel,
        out_type=jax.ShapeDtypeStruct((B, DPAD), jnp.float32),
        mesh=mesh,
        scratch_types=[
            pltpu.VMEM((BPW,), jnp.int32),
            pltpu.VMEM((BPW, DPAD), jnp.float32),
            pltpu.SemaphoreType.DMA,
        ],
    )
    def gk(table_hbm, idx_hbm, out_hbm, idx_v, rows_v, sem):
        wid = lax.axis_index("s") * N_SC_CORES + lax.axis_index("c")
        base = wid * BPW
        pltpu.sync_copy(idx_hbm.at[pl.ds(base, BPW)], idx_v)
        pltpu.async_copy(table_hbm.at[idx_v], rows_v, sem).wait()
        pltpu.sync_copy(rows_v, out_hbm.at[pl.ds(base, BPW)])

    return gk(tablen, idx)


def _sampled_indices():
    perm = jax.random.permutation(jax.random.key(42), PER)[:int(0.1 * PER)]
    all_idx = jnp.arange(K).reshape(NUM_PTM, PER)
    si = all_idx[:, perm].reshape(-1).astype(jnp.int32)
    return jnp.concatenate(
        [si, jnp.full((SPAD - SAMPLED,), -1, jnp.int32)]).reshape(1, SPAD)


def kernel(x, Q, embeddings):
    e2 = jnp.sum(embeddings ** 2, axis=1)[None, :]
    q2 = Q.reshape(B, 1)
    sidx = _sampled_indices()
    idx2, tablen, lsum, ul = _tc_call(x, q2, embeddings, e2, sidx)
    idx = idx2.reshape(B)
    quantized = _sc_gather(tablen, idx)[:, :D]
    loss = lsum[0, 0] * ((1.0 + COMMIT) / (B * D))
    return (quantized, loss, ul[0, 0], idx)

# --- scband reference (transcript-rebuilt; emitter-appended) ---
"""Pipeline reference for scband-me-token-pro-model-24627342475479 (READ-ONLY COPY).

The authoritative reference and input builder live on the scoring server;
editing this copy changes nothing except your own understanding.
"""

import jax, jax.numpy as jnp
import numpy as np

B = 16384
D = 64
NUM_PTM = 26
PER = 128
K = NUM_PTM * PER
COMMIT = 0.25
TEMP = 0.07


def _normalize(v, axis=-1, eps=1e-12):
    n = jnp.linalg.norm(v, axis=axis, keepdims=True)
    return v / jnp.maximum(n, eps)


def setup_inputs(seed: int = 0) -> dict:
    key = jax.random.key(seed)
    k1, k2, k3 = jax.random.split(key, 3)
    x = jax.random.normal(k1, (B, D), dtype=jnp.float32)
    Q = jax.random.randint(k2, (B,), 0, NUM_PTM, dtype=jnp.int32)
    initrange = 1.0 / D
    table = jax.random.uniform(k3, (K, D), dtype=jnp.float32, minval=-initrange, maxval=initrange)
    table = _normalize(table, axis=1)
    return {"x": x, "Q": Q, "embeddings": table}


def _uniform_loss(embeddings):
    norm_emb = _normalize(embeddings, axis=1)
    sampled_num = int(0.1 * PER)
    perm = jax.random.permutation(jax.random.key(42), PER)[:sampled_num]
    all_idx = jnp.arange(K).reshape(NUM_PTM, PER)
    sampled_indices = all_idx[:, perm].reshape(-1)
    se = jnp.take(norm_emb, sampled_indices, axis=0)
    sim = se @ se.T
    labels = sampled_indices // PER
    pos = (labels[None, :] == labels[:, None])
    n = sampled_indices.shape[0]
    eye = jnp.eye(n, dtype=bool)
    sim = jnp.where(eye, -jnp.inf, sim)
    sim_exp = jnp.exp(sim / TEMP)
    sum_exp = jnp.sum(sim_exp, axis=1, keepdims=True)
    pos_exp = sim_exp * pos.astype(jnp.float32)
    pos_sum = jnp.sum(pos_exp, axis=1, keepdims=True)
    return -jnp.log(pos_sum / sum_exp).mean()


def reference(x, Q, embeddings):
    xn = _normalize(x, axis=-1)
    # type-masked nearest-code search (equivalent to the per-type loop)
    d2 = (jnp.sum(xn ** 2, axis=1, keepdims=True)
          + jnp.sum(embeddings ** 2, axis=1)[None, :]
          - 2.0 * (xn @ embeddings.T))
    code_type = jnp.arange(K) // PER
    mask = code_type[None, :] == Q[:, None]
    d2 = jnp.where(mask, d2, jnp.inf)
    encoding_indices = jnp.argmin(d2, axis=1)
    quantized = _normalize(jnp.take(embeddings, encoding_indices, axis=0), axis=-1)
    q_latent = jnp.mean((quantized - jax.lax.stop_gradient(xn)) ** 2)
    e_latent = jnp.mean((xn - jax.lax.stop_gradient(quantized)) ** 2)
    loss = q_latent + COMMIT * e_latent
    uloss = _uniform_loss(embeddings)
    quantized_st = xn + jax.lax.stop_gradient(quantized - xn)
    return (quantized_st, loss, uloss, encoding_indices)

if __name__ == "__main__":
    import jax
    _d = setup_inputs()
    print(jax.jit(kernel)(*tuple(_d.values())))

</pallas_src>

<mosaic_0001>
#map = affine_map<(d0, d1) -> (0, 0)>
#map1 = affine_map<(d0, d1) -> (0)>
module attributes {stable_mosaic.version = 14 : i64} {
  func.func @gk(%arg0: i32, %arg1: i32, %arg2: memref<3328x128xf32, #tpu.memory_space<hbm>>, %arg3: memref<16384xi32, #tpu.memory_space<hbm>>, %arg4: memref<16384x128xf32, #tpu.memory_space<hbm>>, %arg5: memref<512xi32, #tpu.memory_space<vmem>>, %arg6: memref<512x128xf32, #tpu.memory_space<vmem>>, %arg7: memref<!tpu.dma_semaphore, #tpu.memory_space<semaphore_mem>>) attributes {dimension_semantics = [#tpu.dimension_semantics<core_parallel>, #tpu.dimension_semantics<subcore_parallel>], iteration_bounds = array<i64: 2, 16>, scalar_prefetch = 0 : i64, scratch_operands = 3 : i64, tpu.core_type = #tpu.core_type<sc_vector_subcore>, window_params = [{transform_indices = #map}, {transform_indices = #map1}, {transform_indices = #map}]} {
    %mul3A = arith.constant 2 : i32
    %mul3A_0 = arith.muli %arg1, %mul3A : i32
    %add3A = arith.addi %mul3A_0, %arg0 : i32
    %mul3A_1 = arith.constant 512 : i32
    %mul3A_2 = arith.muli %add3A, %mul3A_1 : i32
    "tpu.region"() ({
      %run_scoped3A = tpu.sem_alloc : memref<!tpu.dma_semaphore, #tpu.memory_space<semaphore_mem>>
      %dma_start3A_7 = tpu.memref_slice %arg3[%mul3A_2] : memref<16384xi32, #tpu.memory_space<hbm>> -> memref<512xi32, #tpu.memory_space<hbm>>
      %dma_start3A_8 = tpu.memref_slice %arg3[%mul3A_2] : memref<16384xi32, #tpu.memory_space<hbm>> -> memref<512xi32, #tpu.memory_space<hbm>>
      tpu.enqueue_dma source(%dma_start3A_8 : memref<512xi32, #tpu.memory_space<hbm>>) target(%arg5 : memref<512xi32, #tpu.memory_space<vmem>>) target_semaphore(%run_scoped3A : memref<!tpu.dma_semaphore, #tpu.memory_space<semaphore_mem>>)
      %dma_wait3A_9 = tpu.memref_slice %arg3[%mul3A_2] : memref<16384xi32, #tpu.memory_space<hbm>> -> memref<512xi32, #tpu.memory_space<hbm>>
      %dma_wait3A_10 = tpu.memref_slice %arg3[%mul3A_2] : memref<16384xi32, #tpu.memory_space<hbm>> -> memref<512xi32, #tpu.memory_space<hbm>>
      tpu.wait_dma2 semaphore(%run_scoped3A : memref<!tpu.dma_semaphore, #tpu.memory_space<semaphore_mem>>) src(%dma_wait3A_10 : memref<512xi32, #tpu.memory_space<hbm>>) dst(%arg5 : memref<512xi32, #tpu.memory_space<vmem>>)
      tpu.yield
    }) : () -> ()
    %dma_start3A = arith.constant 0 : i32
    %dma_start3A_3 = arith.constant 0 : i32
    %dma_start3A_4 = tpu.memref_slice %arg2[%dma_start3A, %dma_start3A_3] : memref<3328x128xf32, #tpu.memory_space<hbm>> -> memref<3328x128xf32, #tpu.memory_space<hbm>>
    tpu.enqueue_indirect_dma source(%dma_start3A_4 : memref<3328x128xf32, #tpu.memory_space<hbm>>) target(%arg6 : memref<512x128xf32, #tpu.memory_space<vmem>>) offsets(%arg5 : memref<512xi32, #tpu.memory_space<vmem>>) semaphore(%arg7 : memref<!tpu.dma_semaphore, #tpu.memory_space<semaphore_mem>>)
    %dma_wait3A = arith.constant 0 : i32
    %dma_wait3A_5 = arith.constant 0 : i32
    %dma_wait3A_6 = tpu.memref_slice %arg2[%dma_wait3A, %dma_wait3A_5] : memref<3328x128xf32, #tpu.memory_space<hbm>> -> memref<3328x128xf32, #tpu.memory_space<hbm>>
    tpu.wait_indirect_dma semaphore(%arg7 : memref<!tpu.dma_semaphore, #tpu.memory_space<semaphore_mem>>) src(%dma_wait3A_6 : memref<3328x128xf32, #tpu.memory_space<hbm>>) dst(%arg6 : memref<512x128xf32, #tpu.memory_space<vmem>>)
    "tpu.region"() ({
      %run_scoped3A = tpu.sem_alloc : memref<!tpu.dma_semaphore, #tpu.memory_space<semaphore_mem>>
      %dma_start3A_7 = arith.constant 0 : i32
      %dma_start3A_8 = tpu.memref_slice %arg4[%mul3A_2, %dma_start3A_7] : memref<16384x128xf32, #tpu.memory_space<hbm>> -> memref<512x128xf32, #tpu.memory_space<hbm>>
      %dma_start3A_9 = arith.constant 0 : i32
      %dma_start3A_10 = tpu.memref_slice %arg4[%mul3A_2, %dma_start3A_9] : memref<16384x128xf32, #tpu.memory_space<hbm>> -> memref<512x128xf32, #tpu.memory_space<hbm>>
      tpu.enqueue_dma source(%arg6 : memref<512x128xf32, #tpu.memory_space<vmem>>) target(%dma_start3A_10 : memref<512x128xf32, #tpu.memory_space<hbm>>) target_semaphore(%run_scoped3A : memref<!tpu.dma_semaphore, #tpu.memory_space<semaphore_mem>>)
      %dma_wait3A_11 = arith.constant 0 : i32
      %dma_wait3A_12 = tpu.memref_slice %arg4[%mul3A_2, %dma_wait3A_11] : memref<16384x128xf32, #tpu.memory_space<hbm>> -> memref<512x128xf32, #tpu.memory_space<hbm>>
      %dma_wait3A_13 = arith.constant 0 : i32
      %dma_wait3A_14 = tpu.memref_slice %arg4[%mul3A_2, %dma_wait3A_13] : memref<16384x128xf32, #tpu.memory_space<hbm>> -> memref<512x128xf32, #tpu.memory_space<hbm>>
      tpu.wait_dma2 semaphore(%run_scoped3A : memref<!tpu.dma_semaphore, #tpu.memory_space<semaphore_mem>>) src(%arg6 : memref<512x128xf32, #tpu.memory_space<vmem>>) dst(%dma_wait3A_14 : memref<512x128xf32, #tpu.memory_space<hbm>>)
      tpu.yield
    }) : () -> ()
    return
  }
}

module attributes {stable_mosaic.version = 14 : i64} {
  func.func @_tc_body(%arg0: i32, %arg1: memref<2048x64xf32, #tpu.memory_space<vmem>>, %arg2: memref<2048x1xi32, #tpu.memory_space<vmem>>, %arg3: memref<3328x64xf32, #tpu.memory_space<vmem>>, %arg4: memref<1x3328xf32, #tpu.memory_space<vmem>>, %arg5: memref<1x384xi32, #tpu.memory_space<vmem>>, %arg6: memref<2048x1xi32, #tpu.memory_space<vmem>>, %arg7: memref<3328x128xf32, #tpu.memory_space<vmem>>, %arg8: memref<1x1xf32, #tpu.memory_space<vmem>>, %arg9: memref<1x1xf32, #tpu.memory_space<vmem>>) attributes {dimension_semantics = [#tpu.dimension_semantics<arbitrary>], iteration_bounds = array<i64: 8>, scalar_prefetch = 0 : i64, scratch_operands = 0 : i64, tpu.core_type = #tpu.core_type<tc>, window_params = [{transform_indices = @transform_0, window_bounds = array<i64: 2048, 64>}, {transform_indices = @transform_1, window_bounds = array<i64: 2048, 1>}, {pipeline_mode = #tpu.pipeline_mode<synchronous>, transform_indices = @transform_2, window_bounds = array<i64: 3328, 64>}, {pipeline_mode = #tpu.pipeline_mode<synchronous>, transform_indices = @transform_3, window_bounds = array<i64: 1, 3328>}, {pipeline_mode = #tpu.pipeline_mode<synchronous>, transform_indices = @transform_4, window_bounds = array<i64: 1, 384>}, {transform_indices = @transform_5, window_bounds = array<i64: 2048, 1>}, {pipeline_mode = #tpu.pipeline_mode<synchronous>, transform_indices = @transform_6, window_bounds = array<i64: 3328, 128>}, {pipeline_mode = #tpu.pipeline_mode<synchronous>, transform_indices = @transform_7, window_bounds = array<i64: 1, 1>}, {pipeline_mode = #tpu.pipeline_mode<synchronous>, transform_indices = @transform_8, window_bounds = array<i64: 1, 1>}]} {
    %get3A = arith.constant 0 : index
    %get3A_0 = arith.constant 0 : index
    %get3A_1 = vector.load %arg1[%get3A, %get3A_0] : memref<2048x64xf32, #tpu.memory_space<vmem>>, vector<2048x64xf32>
    %mul3A = arith.mulf %get3A_1, %get3A_1 : vector<2048x64xf32>
    %reduce_sum3A = arith.constant dense<0.000000e+00> : vector<2048xf32>
    %reduce_sum3A_2 = vector.multi_reduction <add>, %mul3A, %reduce_sum3A [1] : vector<2048x64xf32> to vector<2048xf32>
    %broadcast_in_dim3A = vector.shape_cast %reduce_sum3A_2 : vector<2048xf32> to vector<2048x1xf32>
    %sqrt3A = math.sqrt %broadcast_in_dim3A : vector<2048x1xf32>
    %max3A = arith.constant 9.99999996E-13 : f32
    %max3A_3 = vector.broadcast %max3A : f32 to vector<2048x1xf32>
    %max3A_4 = arith.maximumf %sqrt3A, %max3A_3 : vector<2048x1xf32>
    %div3A = vector.broadcast %max3A_4 : vector<2048x1xf32> to vector<2048x64xf32>
    %div3A_5 = arith.divf %get3A_1, %div3A : vector<2048x64xf32>
    %mul3A_6 = arith.mulf %div3A_5, %div3A_5 : vector<2048x64xf32>
    %reduce_sum3A_7 = arith.constant dense<0.000000e+00> : vector<2048xf32>
    %reduce_sum3A_8 = vector.multi_reduction <add>, %mul3A_6, %reduce_sum3A_7 [1] : vector<2048x64xf32> to vector<2048xf32>
    %broadcast_in_dim3A_9 = vector.shape_cast %reduce_sum3A_8 : vector<2048xf32> to vector<2048x1xf32>
    %get3A_10 = arith.constant 0 : index
    %get3A_11 = arith.constant 0 : index
    %get3A_12 = vector.load %arg3[%get3A_10, %get3A_11] : memref<3328x64xf32, #tpu.memory_space<vmem>>, vector<3328x64xf32>
    %dot_general3A = arith.constant dense<0.000000e+00> : vector<2048x3328xf32>
    %dot_general3A_13 = tpu.matmul %div3A_5, %get3A_12, %dot_general3A {dimension_numbers = #tpu.dot_dimension_numbers<[1], [1], [0], [0], [0, 0, 1, 0], [], []>, transpose_lhs_hint = false} : vector<2048x64xf32>, vector<3328x64xf32>, vector<2048x3328xf32> -> vector<2048x3328xf32>
    %get3A_14 = arith.constant 0 : index
    %get3A_15 = arith.constant 0 : index
    %get3A_16 = vector.load %arg4[%get3A_14, %get3A_15] : memref<1x3328xf32, #tpu.memory_space<vmem>>, vector<1x3328xf32>
    %add3A = vector.broadcast %broadcast_in_dim3A_9 : vector<2048x1xf32> to vector<2048x3328xf32>
    %add3A_17 = vector.broadcast %get3A_16 : vector<1x3328xf32> to vector<2048x3328xf32>
    %add3A_18 = arith.addf %add3A, %add3A_17 : vector<2048x3328xf32>
    %mul3A_19 = arith.constant 2.000000e+00 : f32
    %mul3A_20 = vector.broadcast %mul3A_19 : f32 to vector<2048x3328xf32>
    %mul3A_21 = arith.mulf %mul3A_20, %dot_general3A_13 : vector<2048x3328xf32>
    %sub3A = arith.subf %add3A_18, %mul3A_21 : vector<2048x3328xf32>
    %iota3A = tpu.iota {dimensions = array<i32: 1>} : vector<1x3328xi32>
    %jit3A = arith.constant 128 : i32
    %div3A_22 = vector.broadcast %jit3A : i32 to vector<1x3328xi32>
    %div3A_23 = arith.divsi %iota3A, %div3A_22 : vector<1x3328xi32>
    %sign3A = arith.constant 0 : i32
    %sign3A_24 = vector.broadcast %sign3A : i32 to vector<1x3328xi32>
    %sign3A_25 = arith.cmpi sgt, %iota3A, %sign3A_24 : vector<1x3328xi32>
    %sign3A_26 = arith.extui %sign3A_25 : vector<1x3328xi1> to vector<1x3328xi32>
    %sign3A_27 = arith.constant 0 : i32
    %sign3A_28 = vector.broadcast %sign3A_27 : i32 to vector<1x3328xi32>
    %sign3A_29 = arith.cmpi slt, %iota3A, %sign3A_28 : vector<1x3328xi32>
    %sign3A_30 = arith.extui %sign3A_29 : vector<1x3328xi1> to vector<1x3328xi32>
    %sign3A_31 = arith.subi %sign3A_26, %sign3A_30 : vector<1x3328xi32>
    %sign3A_32 = arith.constant 0 : i32
    %sign3A_33 = arith.cmpi sgt, %jit3A, %sign3A_32 : i32
    %sign3A_34 = arith.extui %sign3A_33 : i1 to i32
    %sign3A_35 = arith.constant 0 : i32
    %sign3A_36 = arith.cmpi slt, %jit3A, %sign3A_35 : i32
    %sign3A_37 = arith.extui %sign3A_36 : i1 to i32
    %sign3A_38 = arith.subi %sign3A_34, %sign3A_37 : i32
    %ne3A = vector.broadcast %sign3A_38 : i32 to vector<1x3328xi32>
    %ne3A_39 = arith.cmpi ne, %sign3A_31, %ne3A : vector<1x3328xi32>
    %rem3A = vector.broadcast %jit3A : i32 to vector<1x3328xi32>
    %rem3A_40 = arith.remsi %iota3A, %rem3A : vector<1x3328xi32>
    %ne3A_41 = arith.constant 0 : i32
    %ne3A_42 = vector.broadcast %ne3A_41 : i32 to vector<1x3328xi32>
    %ne3A_43 = arith.cmpi ne, %rem3A_40, %ne3A_42 : vector<1x3328xi32>
    %and3A = arith.andi %ne3A_39, %ne3A_43 : vector<1x3328xi1>
    %sub3A_44 = arith.constant 1 : i32
    %sub3A_45 = vector.broadcast %sub3A_44 : i32 to vector<1x3328xi32>
    %sub3A_46 = arith.subi %div3A_23, %sub3A_45 : vector<1x3328xi32>
    %select_n3A = arith.select %and3A, %sub3A_46, %div3A_23 : vector<1x3328xi1>, vector<1x3328xi32>
    %get3A_47 = arith.constant 0 : index
    %get3A_48 = arith.constant 0 : index
    %get3A_49 = vector.load %arg2[%get3A_47, %get3A_48] : memref<2048x1xi32, #tpu.memory_space<vmem>>, vector<2048x1xi32>
    %eq3A = vector.broadcast %select_n3A : vector<1x3328xi32> to vector<2048x3328xi32>
    %eq3A_50 = vector.broadcast %get3A_49 : vector<2048x1xi32> to vector<2048x3328xi32>
    %eq3A_51 = arith.cmpi eq, %eq3A, %eq3A_50 : vector<2048x3328xi32>
    %jit3A_52 = arith.constant 0x7F800000 : f32
    %broadcast_in_dim3A_53 = vector.broadcast %jit3A_52 : f32 to vector<2048x3328xf32>
    %select_n3A_54 = arith.select %eq3A_51, %sub3A, %broadcast_in_dim3A_53 : vector<2048x3328xi1>, vector<2048x3328xf32>
    %reduce_min3A = arith.constant dense<0x7F800000> : vector<2048xf32>
    %reduce_min3A_55 = vector.multi_reduction <minimumf>, %select_n3A_54, %reduce_min3A [1] : vector<2048x3328xf32> to vector<2048xf32>
    %broadcast_in_dim3A_56 = vector.shape_cast %reduce_min3A_55 : vector<2048xf32> to vector<2048x1xf32>
    %iota3A_57 = tpu.iota {dimensions = array<i32: 1>} : vector<2048x3328xi32>
    %eq3A_58 = vector.broadcast %broadcast_in_dim3A_56 : vector<2048x1xf32> to vector<2048x3328xf32>
    %eq3A_59 = arith.cmpf oeq, %select_n3A_54, %eq3A_58 : vector<2048x3328xf32>
    %jit3A_60 = arith.constant 3328 : i32
    %broadcast_in_dim3A_61 = vector.broadcast %jit3A_60 : i32 to vector<2048x3328xi32>
    %select_n3A_62 = arith.select %eq3A_59, %iota3A_57, %broadcast_in_dim3A_61 : vector<2048x3328xi1>, vector<2048x3328xi32>
    %reduce_min3A_63 = arith.constant dense<2147483647> : vector<2048xi32>
    %reduce_min3A_64 = vector.multi_reduction <minsi>, %select_n3A_62, %reduce_min3A_63 [1] : vector<2048x3328xi32> to vector<2048xi32>
    %broadcast_in_dim3A_65 = vector.shape_cast %reduce_min3A_64 : vector<2048xi32> to vector<2048x1xi32>
    %swap3A = arith.constant 0 : index
    %swap3A_66 = arith.constant 0 : index
    %swap3A_67 = vector.load %arg6[%swap3A, %swap3A_66] : memref<2048x1xi32, #tpu.memory_space<vmem>>, vector<2048x1xi32>
    tpu.vector_store %arg6[%swap3A, %swap3A_66], %broadcast_in_dim3A_65 {strides = array<i32>} : memref<2048x1xi32, #tpu.memory_space<vmem>>, vector<2048x1xi32>,
    %eq3A_68 = arith.constant 0 : i32
    %eq3A_69 = arith.cmpi eq, %arg0, %eq3A_68 : i32
    %convert_element_type3A = arith.extui %eq3A_69 : i1 to i32
    %cond3A = arith.constant 0 : i32
    %cond3A_70 = arith.cmpi ne, %convert_element_type3A, %cond3A : i32
    scf.if %cond3A_70 {
      %broadcast_in_dim3A_83 = arith.constant 0.000000e+00 : f32
      %broadcast_in_dim3A_84 = vector.broadcast %broadcast_in_dim3A_83 : f32 to vector<1x1xf32>
      %swap3A_85 = arith.constant 0 : index
      %swap3A_86 = arith.constant 0 : index
      %swap3A_87 = vector.load %arg8[%swap3A_85, %swap3A_86] : memref<1x1xf32, #tpu.memory_space<vmem>>, vector<1x1xf32>
      tpu.vector_store %arg8[%swap3A_85, %swap3A_86], %broadcast_in_dim3A_84 {strides = array<i32>} : memref<1x1xf32, #tpu.memory_space<vmem>>, vector<1x1xf32>,
      %get3A_88 = arith.constant 0 : index
      %get3A_89 = arith.constant 0 : index
      %get3A_90 = vector.load %arg3[%get3A_88, %get3A_89] : memref<3328x64xf32, #tpu.memory_space<vmem>>, vector<3328x64xf32>
      %mul3A_91 = arith.mulf %get3A_90, %get3A_90 : vector<3328x64xf32>
      %reduce_sum3A_92 = arith.constant dense<0.000000e+00> : vector<3328xf32>
      %reduce_sum3A_93 = vector.multi_reduction <add>, %mul3A_91, %reduce_sum3A_92 [1] : vector<3328x64xf32> to vector<3328xf32>
      %broadcast_in_dim3A_94 = vector.shape_cast %reduce_sum3A_93 : vector<3328xf32> to vector<3328x1xf32>
      %sqrt3A_95 = math.sqrt %broadcast_in_dim3A_94 : vector<3328x1xf32>
      %max3A_96 = arith.constant 9.99999996E-13 : f32
      %max3A_97 = vector.broadcast %max3A_96 : f32 to vector<3328x1xf32>
      %max3A_98 = arith.maximumf %sqrt3A_95, %max3A_97 : vector<3328x1xf32>
      %div3A_99 = vector.broadcast %max3A_98 : vector<3328x1xf32> to vector<3328x64xf32>
      %div3A_100 = arith.divf %get3A_90, %div3A_99 : vector<3328x64xf32>
      %broadcast_in_dim3A_101 = arith.constant 0.000000e+00 : f32
      %broadcast_in_dim3A_102 = vector.broadcast %broadcast_in_dim3A_101 : f32 to vector<3328x64xf32>
      %concatenate3A = tpu.concatenate %div3A_100, %broadcast_in_dim3A_102 in 1 : vector<3328x64xf32>, vector<3328x64xf32> -> vector<3328x128xf32>
      %swap3A_103 = arith.constant 0 : index
      %swap3A_104 = arith.constant 0 : index
      %swap3A_105 = vector.load %arg7[%swap3A_103, %swap3A_104] : memref<3328x128xf32, #tpu.memory_space<vmem>>, vector<3328x128xf32>
      tpu.vector_store %arg7[%swap3A_103, %swap3A_104], %concatenate3A {strides = array<i32>} : memref<3328x128xf32, #tpu.memory_space<vmem>>, vector<3328x128xf32>,
      %get3A_106 = arith.constant 0 : index
      %get3A_107 = arith.constant 0 : index
      %get3A_108 = vector.load %arg5[%get3A_106, %get3A_107] : memref<1x384xi32, #tpu.memory_space<vmem>>, vector<1x384xi32>
      %reshape3A_109 = vector.shape_cast %get3A_108 : vector<1x384xi32> to vector<384x1xi32>
      %iota3A_110 = tpu.iota {dimensions = array<i32: 1>} : vector<384x3328xi32>
      %eq3A_111 = vector.broadcast %reshape3A_109 : vector<384x1xi32> to vector<384x3328xi32>
      %eq3A_112 = arith.cmpi eq, %eq3A_111, %iota3A_110 : vector<384x3328xi32>
      %convert_element_type3A_113 = arith.extui %eq3A_112 : vector<384x3328xi1> to vector<384x3328xi32>
      %convert_element_type3A_114 = arith.sitofp %convert_element_type3A_113 : vector<384x3328xi32> to vector<384x3328xf32>
      %dot_general3A_115 = arith.constant dense<0.000000e+00> : vector<384x64xf32>
      %dot_general3A_116 = tpu.matmul %convert_element_type3A_114, %div3A_100, %dot_general3A_115 {dimension_numbers = #tpu.dot_dimension_numbers<[1], [0], [0], [1], [0, 0, 1, 1], [], []>, precision = #tpu.contract_precision<fp32>, transpose_lhs_hint = false} : vector<384x3328xf32>, vector<3328x64xf32>, vector<384x64xf32> -> vector<384x64xf32>
      %dot_general3A_117 = arith.constant dense<0.000000e+00> : vector<384x384xf32>
      %dot_general3A_118 = tpu.matmul %dot_general3A_116, %dot_general3A_116, %dot_general3A_117 {dimension_numbers = #tpu.dot_dimension_numbers<[1], [1], [0], [0], [0, 0, 1, 0], [], []>, precision = #tpu.contract_precision<fp32>, transpose_lhs_hint = false} : vector<384x64xf32>, vector<384x64xf32>, vector<384x384xf32> -> vector<384x384xf32>
      %ge3A = arith.constant 0 : i32
      %ge3A_119 = vector.broadcast %ge3A : i32 to vector<1x384xi32>
      %ge3A_120 = arith.cmpi sge, %get3A_108, %ge3A_119 : vector<1x384xi32>
      %iota3A_121 = tpu.iota {dimensions = array<i32: 0>} : vector<384x384xi32>
      %iota3A_122 = tpu.iota {dimensions = array<i32: 1>} : vector<384x384xi32>
      %eq3A_123 = arith.cmpi eq, %iota3A_121, %iota3A_122 : vector<384x384xi32>
      %not3A = arith.constant dense<true> : vector<384x384xi1>
      %not3A_124 = arith.xori %eq3A_123, %not3A : vector<384x384xi1>
      %and3A_125 = vector.broadcast %ge3A_120 : vector<1x384xi1> to vector<384x384xi1>
      %and3A_126 = arith.andi %and3A_125, %not3A_124 : vector<384x384xi1>
      %neg3A = arith.constant 0.000000e+00 : f32
      %neg3A_127 = arith.constant 0x7F800000 : f32
      %neg3A_128 = arith.subf %neg3A, %neg3A_127 : f32
      %broadcast_in_dim3A_129 = vector.broadcast %neg3A_128 : f32 to vector<384x384xf32>
      %select_n3A_130 = arith.select %and3A_126, %dot_general3A_118, %broadcast_in_dim3A_129 : vector<384x384xi1>, vector<384x384xf32>
      %div3A_131 = arith.constant 7.000000e-02 : f32
      %div3A_132 = vector.broadcast %div3A_131 : f32 to vector<384x384xf32>
      %div3A_133 = arith.divf %select_n3A_130, %div3A_132 : vector<384x384xf32>
      %exp3A = math.exp %div3A_133 : vector<384x384xf32>
      %reduce_sum3A_134 = arith.constant dense<0.000000e+00> : vector<384xf32>
      %reduce_sum3A_135 = vector.multi_reduction <add>, %exp3A, %reduce_sum3A_134 [1] : vector<384x384xf32> to vector<384xf32>
      %broadcast_in_dim3A_136 = vector.shape_cast %reduce_sum3A_135 : vector<384xf32> to vector<384x1xf32>
      %ge3A_137 = arith.constant 0 : i32
      %ge3A_138 = vector.broadcast %ge3A_137 : i32 to vector<1x384xi32>
      %ge3A_139 = arith.cmpi sge, %get3A_108, %ge3A_138 : vector<1x384xi32>
      %jit3A_140 = arith.constant 128 : i32
      %div3A_141 = vector.broadcast %jit3A_140 : i32 to vector<1x384xi32>
      %div3A_142 = arith.divsi %get3A_108, %div3A_141 : vector<1x384xi32>
      %sign3A_143 = arith.constant 0 : i32
      %sign3A_144 = vector.broadcast %sign3A_143 : i32 to vector<1x384xi32>
      %sign3A_145 = arith.cmpi sgt, %get3A_108, %sign3A_144 : vector<1x384xi32>
      %sign3A_146 = arith.extui %sign3A_145 : vector<1x384xi1> to vector<1x384xi32>
      %sign3A_147 = arith.constant 0 : i32
      %sign3A_148 = vector.broadcast %sign3A_147 : i32 to vector<1x384xi32>
      %sign3A_149 = arith.cmpi slt, %get3A_108, %sign3A_148 : vector<1x384xi32>
      %sign3A_150 = arith.extui %sign3A_149 : vector<1x384xi1> to vector<1x384xi32>
      %sign3A_151 = arith.subi %sign3A_146, %sign3A_150 : vector<1x384xi32>
      %sign3A_152 = arith.constant 0 : i32
      %sign3A_153 = arith.cmpi sgt, %jit3A_140, %sign3A_152 : i32
      %sign3A_154 = arith.extui %sign3A_153 : i1 to i32
      %sign3A_155 = arith.constant 0 : i32
      %sign3A_156 = arith.cmpi slt, %jit3A_140, %sign3A_155 : i32
      %sign3A_157 = arith.extui %sign3A_156 : i1 to i32
      %sign3A_158 = arith.subi %sign3A_154, %sign3A_157 : i32
      %ne3A_159 = vector.broadcast %sign3A_158 : i32 to vector<1x384xi32>
      %ne3A_160 = arith.cmpi ne, %sign3A_151, %ne3A_159 : vector<1x384xi32>
      %rem3A_161 = vector.broadcast %jit3A_140 : i32 to vector<1x384xi32>
      %rem3A_162 = arith.remsi %get3A_108, %rem3A_161 : vector<1x384xi32>
      %ne3A_163 = arith.constant 0 : i32
      %ne3A_164 = vector.broadcast %ne3A_163 : i32 to vector<1x384xi32>
      %ne3A_165 = arith.cmpi ne, %rem3A_162, %ne3A_164 : vector<1x384xi32>
      %and3A_166 = arith.andi %ne3A_160, %ne3A_165 : vector<1x384xi1>
      %sub3A_167 = arith.constant 1 : i32
      %sub3A_168 = vector.broadcast %sub3A_167 : i32 to vector<1x384xi32>
      %sub3A_169 = arith.subi %div3A_142, %sub3A_168 : vector<1x384xi32>
      %select_n3A_170 = arith.select %and3A_166, %sub3A_169, %div3A_142 : vector<1x384xi1>, vector<1x384xi32>
      %jit3A_171 = arith.constant -1 : i32
      %broadcast_in_dim3A_172 = vector.broadcast %jit3A_171 : i32 to vector<1x384xi32>
      %select_n3A_173 = arith.select %ge3A_139, %select_n3A_170, %broadcast_in_dim3A_172 : vector<1x384xi1>, vector<1x384xi32>
      %reshape3A_174 = vector.shape_cast %select_n3A_173 : vector<1x384xi32> to vector<384x1xi32>
      %eq3A_175 = vector.broadcast %reshape3A_174 : vector<384x1xi32> to vector<384x384xi32>
      %eq3A_176 = vector.broadcast %select_n3A_173 : vector<1x384xi32> to vector<384x384xi32>
      %eq3A_177 = arith.cmpi eq, %eq3A_175, %eq3A_176 : vector<384x384xi32>
      %jit3A_178 = arith.constant 0.000000e+00 : f32
      %broadcast_in_dim3A_179 = vector.broadcast %jit3A_178 : f32 to vector<384x384xf32>
      %select_n3A_180 = arith.select %eq3A_177, %exp3A, %broadcast_in_dim3A_179 : vector<384x384xi1>, vector<384x384xf32>
      %reduce_sum3A_181 = arith.constant dense<0.000000e+00> : vector<384xf32>
      %reduce_sum3A_182 = vector.multi_reduction <add>, %select_n3A_180, %reduce_sum3A_181 [1] : vector<384x384xf32> to vector<384xf32>
      %broadcast_in_dim3A_183 = vector.shape_cast %reduce_sum3A_182 : vector<384xf32> to vector<384x1xf32>
      %reshape3A_184 = vector.shape_cast %get3A_108 : vector<1x384xi32> to vector<384x1xi32>
      %ge3A_185 = arith.constant 0 : i32
      %ge3A_186 = vector.broadcast %ge3A_185 : i32 to vector<384x1xi32>
      %ge3A_187 = arith.cmpi sge, %reshape3A_184, %ge3A_186 : vector<384x1xi32>
      %max3A_188 = arith.constant 1.000000e-30 : f32
      %max3A_189 = vector.broadcast %max3A_188 : f32 to vector<384x1xf32>
      %max3A_190 = arith.maximumf %broadcast_in_dim3A_136, %max3A_189 : vector<384x1xf32>
      %div3A_191 = arith.divf %broadcast_in_dim3A_183, %max3A_190 : vector<384x1xf32>
      %jit3A_192 = arith.constant 1.000000e+00 : f32
      %broadcast_in_dim3A_193 = vector.broadcast %jit3A_192 : f32 to vector<384x1xf32>
      %select_n3A_194 = arith.select %ge3A_187, %div3A_191, %broadcast_in_dim3A_193 : vector<384x1xi1>, vector<384x1xf32>
      %log3A = math.log %select_n3A_194 : vector<384x1xf32>
      %reduce_sum3A_195 = vector.shape_cast %log3A : vector<384x1xf32> to vector<1x384x1xf32>
      %reduce_sum3A_196 = arith.constant dense<0.000000e+00> : vector<1xf32>
      %reduce_sum3A_197 = vector.multi_reduction <add>, %reduce_sum3A_195, %reduce_sum3A_196 [1, 2] : vector<1x384x1xf32> to vector<1xf32>
      %reduce_sum3A_198 = vector.shape_cast %reduce_sum3A_197 : vector<1xf32> to vector<1x1x1xf32>
      %reduce_sum3A_199 = vector.extract %reduce_sum3A_198[0, 0, 0] : f32 from vector<1x1x1xf32>
      %neg3A_200 = arith.constant 0.000000e+00 : f32
      %neg3A_201 = arith.subf %neg3A_200, %reduce_sum3A_199 : f32
      %div3A_202 = arith.constant 3.120000e+02 : f32
      %div3A_203 = arith.divf %neg3A_201, %div3A_202 : f32
      %broadcast_in_dim3A_204 = vector.broadcast %div3A_203 : f32 to vector<1x1xf32>
      %swap3A_205 = arith.constant 0 : index
      %swap3A_206 = arith.constant 0 : index
      %swap3A_207 = vector.load %arg9[%swap3A_205, %swap3A_206] : memref<1x1xf32, #tpu.memory_space<vmem>>, vector<1x1xf32>
      tpu.vector_store %arg9[%swap3A_205, %swap3A_206], %broadcast_in_dim3A_204 {strides = array<i32>} : memref<1x1xf32, #tpu.memory_space<vmem>>, vector<1x1xf32>,
    } else {
    }
    %get3A_71 = arith.constant 0 : index
    %get3A_72 = arith.constant 0 : index
    %get3A_73 = vector.load %arg8[%get3A_71, %get3A_72] : memref<1x1xf32, #tpu.memory_space<vmem>>, vector<1x1xf32>
    %reduce_sum3A_74 = vector.shape_cast %broadcast_in_dim3A_56 : vector<2048x1xf32> to vector<1x2048x1xf32>
    %reduce_sum3A_75 = arith.constant dense<0.000000e+00> : vector<1xf32>
    %reduce_sum3A_76 = vector.multi_reduction <add>, %reduce_sum3A_74, %reduce_sum3A_75 [1, 2] : vector<1x2048x1xf32> to vector<1xf32>
    %reduce_sum3A_77 = vector.shape_cast %reduce_sum3A_76 : vector<1xf32> to vector<1x1x1xf32>
    %reduce_sum3A_78 = vector.extract %reduce_sum3A_77[0, 0, 0] : f32 from vector<1x1x1xf32>
    %reshape3A = vector.broadcast %reduce_sum3A_78 : f32 to vector<1x1xf32>
    %add3A_79 = arith.addf %get3A_73, %reshape3A : vector<1x1xf32>
    %swap3A_80 = arith.constant 0 : index
    %swap3A_81 = arith.constant 0 : index
    %swap3A_82 = vector.load %arg8[%swap3A_80, %swap3A_81] : memref<1x1xf32, #tpu.memory_space<vmem>>, vector<1x1xf32>
    tpu.vector_store %arg8[%swap3A_80, %swap3A_81], %add3A_79 {strides = array<i32>} : memref<1x1xf32, #tpu.memory_space<vmem>>, vector<1x1xf32>,
    return
  }
  func.func @transform_0(%arg0: i32) -> (i32, i32) {
    %c0_i32 = arith.constant 0 : i32
    %c0_i32_0 = arith.constant 0 : i32
    return %arg0, %c0_i32 : i32, i32
  }
  func.func @transform_1(%arg0: i32) -> (i32, i32) {
    %c0_i32 = arith.constant 0 : i32
    %c0_i32_0 = arith.constant 0 : i32
    return %arg0, %c0_i32 : i32, i32
  }
  func.func @transform_2(%arg0: i32) -> (i32, i32) {
    %c0_i32 = arith.constant 0 : i32
    %c0_i32_0 = arith.constant 0 : i32
    %c0_i32_1 = arith.constant 0 : i32
    return %c0_i32, %c0_i32_0 : i32, i32
  }
  func.func @transform_3(%arg0: i32) -> (i32, i32) {
    %c0_i32 = arith.constant 0 : i32
    %c0_i32_0 = arith.constant 0 : i32
    %c0_i32_1 = arith.constant 0 : i32
    return %c0_i32, %c0_i32_0 : i32, i32
  }
  func.func @transform_4(%arg0: i32) -> (i32, i32) {
    %c0_i32 = arith.constant 0 : i32
    %c0_i32_0 = arith.constant 0 : i32
    %c0_i32_1 = arith.constant 0 : i32
    return %c0_i32, %c0_i32_0 : i32, i32
  }
  func.func @transform_5(%arg0: i32) -> (i32, i32) {
    %c0_i32 = arith.constant 0 : i32
    %c0_i32_0 = arith.constant 0 : i32
    return %arg0, %c0_i32 : i32, i32
  }
  func.func @transform_6(%arg0: i32) -> (i32, i32) {
    %c0_i32 = arith.constant 0 : i32
    %c0_i32_0 = arith.constant 0 : i32
    %c0_i32_1 = arith.constant 0 : i32
    return %c0_i32, %c0_i32_0 : i32, i32
  }
  func.func @transform_7(%arg0: i32) -> (i32, i32) {
    %c0_i32 = arith.constant 0 : i32
    %c0_i32_0 = arith.constant 0 : i32
    %c0_i32_1 = arith.constant 0 : i32
    return %c0_i32, %c0_i32_0 : i32, i32
  }
  func.func @transform_8(%arg0: i32) -> (i32, i32) {
    %c0_i32 = arith.constant 0 : i32
    %c0_i32_0 = arith.constant 0 : i32
    %c0_i32_1 = arith.constant 0 : i32
    return %c0_i32, %c0_i32_0 : i32, i32
  }
}

</mosaic_0001>

<sc_bundles>
// kernel: kernel.4.cloned.1.call-start
scs
__scs_entry_jumppad:
0x0: {  	(pc) =	sbr.rel $0x88, $3  }
0x1: {  	(tag) =	ssettag $0x0;
	lr =	simm.s32 $0x1  }
0x2: {  	[smem:$0x3F9E] =	sst lr;
	_ =	strace $0xD0000000  }
0x3: {  	_ = 	snop  }
0x4: {  	_ = 	snop  }
0x5: {  	_ = 	snop  }
0x6: {  	_ = 	snop  }
0x7: {  	_ = 	snop  }
__scs_overlays_trampoline_lowered:
0x8: {  	[smem:$0x3FAD] =	sst s0  }
0x9: {  	[smem:$0x3FAE] =	sst s1  }
0xa: {  	[smem:$0x3FAF] =	sst s2  }
0xb: {  	[smem:$0x3FB0] =	sst s3  }
0xc: {  	[smem:$0x3FB1] =	sst s4  }
0xd: {  	[smem:$0x3FB2] =	sst s5  }
0xe: {  	[smem:$0x3FB3] =	sst s6  }
0xf: {  	[smem:$0x3FB4] =	sst s7  }
0x10: {  	[smem:$0x3FB5] =	sst s8  }
0x11: {  	[smem:$0x3FB6] =	sst s9;
	s0 =	simm.s32 @!p0 $0x0  }
0x12: {  	s1 =	sld [smem:$0x3F9C];
	s0 =	simm.s32 @p0 $0x1  }
0x13: {  	[smem:$0x3FB7] =	sst s0;
	s0 =	simm.s32 @!p1 $0x0  }
0x14: {  	s2 =	sld [smem:$0x3F9B];
	s0 =	simm.s32 @p1 $0x1  }
0x15: {  	[smem:$0x3FB8] =	sst s0;
	s0 =	simm.s32 @!p2 $0x0  }
0x16: {  	s3 =	sld [smem:$0x3FDB];
	s0 =	simm.s32 @p2 $0x1  }
0x17: {  	s4 =	simm.s32 $0x1BF5;
	[smem:$0x3FBA] =	sst s0  }
0x18: {  	s0 =	sld [smem:$0x3F9D];
	_ =	swait.ge [sflag:s4], $0x0  }
0x19: {  	s7 =	sld [smem:$0x3F9E]  }
0x1a: {  	s8 =	sadd.s32 $0xFFFFE003, lr  }
0x1b: {  	s9 =	sadd.s32 $0xFFFFFEF7, lr;
	s5 =	simm.s32 $0xFFFFFFFF;
	p2 =	slt.u32 s8, $0xFFFFF086  }
0x1c: {  	p1 =	slt.u32 s9, $0xF7A;
	s5 =	simm.s32 @!p2 $0x0  }
0x1d: {  	s5 =	simm.s32 @p1 $0x1;
	p0 =	seq.s32 s7, s2  }
0x1e: {  	s7 =	smul.u32 @!p0 $0xF7A, s2;
	p2 =	seq.s32 @!p0 s5, $0x0  }
0x1f: {  	s9 =	smul.u32 $0xF7A, s1;
	s8 =	simm.s32 @!p0 $0x1BF5;
	p2 =	por !p2, p0  }
0x20: {  	[sflag:s8] =	ssyncset.s32 @!p0 $0xFFFFF086;
	s6 =	sadd.s32 @!p0 s3, s7;
	s7 =	simm.s32 @!p0 $0x108  }
0x21: {  	s3 =	sadd.s32 s3, s9;
	s6 =	sadd.s32 @!p0 $0x88, s6;
	s7 =	simm.s32 @p2 $0x1082  }
0x22: {  	[simem:s7], [sflag:s8] =	dma.local @!p0 [hbm:s6], $0xF7A  }
0x23: {  	s9 =	sor.u32 $0xD0000000, s2;
	s6 =	simm.s32 $0x108;
	_ =	swait.ge @!p0 [sflag:s8], $0x0  }
0x24: {  	s3 =	sadd.s32 $0x88, s3;
	s6 =	simm.s32 @!p1 $0x1082;
	[sflag:s4] =	ssyncset.s32 $0xFFFFF086  }
0x25: {  	[simem:s6], [sflag:s4] =	dma.local [hbm:s3], $0xF7A  }
0x26: {  	[smem:$0x3F9E] =	sst s1;
	(tag) =	ssettag s2;
	_ =	strace s9  }
0x27: {  	s1 =	sld [smem:$0x3FAE]  }
0x28: {  	s2 =	sld [smem:$0x3FAF]  }
0x29: {  	s4 =	sld [smem:$0x3FB1]  }
0x2a: {  	p0 =	seq.s32 s5, $0x0;
	s5 =	sld [smem:$0x3FB2]  }
0x2b: {  	s6 =	sld [smem:$0x3FB3]  }
0x2c: {  	s7 =	sld [smem:$0x3FB4]  }
0x2d: {  	s3 =	simm.s32 $0x108;
	s8 =	sld [smem:$0x3FB5]  }
0x2e: {  	s3 =	simm.s32 @!p0 $0x1082;
	s9 =	sld [smem:$0x3FB6]  }
0x2f: {  	lr =	sadd.s32 s0, s3;
	s0 =	sld [smem:$0x3FAD]  }
0x30: {  	s3 =	sld [smem:$0x3FB0]  }
0x31: {  	[smem:$0x3FB9] =	sst s10  }
0x32: {  	s10 =	sld [smem:$0x3FB7];
	_ =	sdelay $0x3  }
0x33: {  	p0 =	seq.s32 s10, $0x1;
	s10 =	sld [smem:$0x3FB9];
	_ =	sdelay $0x3  }
0x34: {  	[smem:$0x3FB9] =	sst s10  }
0x35: {  	s10 =	sld [smem:$0x3FB8];
	_ =	sdelay $0x3  }
0x36: {  	p1 =	seq.s32 s10, $0x1;
	s10 =	sld [smem:$0x3FB9];
	_ =	sdelay $0x3  }
0x37: {  	[smem:$0x3FB9] =	sst s10  }
0x38: {  	s10 =	sld [smem:$0x3FBA]  }
0x39: {  	_ = 	snop;
	(pc) =	sbr.ind lr, $3  }
0x3a: {  	_ = 	snop  }
0x3b: {  	_ = 	snop  }
0x3c: {  	p2 =	seq.s32 s10, $0x1;
	s10 =	sld [smem:$0x3FB9]  }
0x3d: {  	_ =	shalt  }
0x3e: {  	_ =	shalt  }
0x3f: {  	_ =	shalt  }
0x40: {  	_ =	shalt  }
0x41: {  	_ =	shalt  }
0x42: {  	_ =	shalt  }
0x43: {  	_ =	shalt  }
0x44: {  	_ =	shalt  }
0x45: {  	_ =	shalt  }
0x46: {  	_ =	shalt  }
0x47: {  	_ =	shalt  }
0x48: {  	_ =	shalt  }
0x49: {  	_ =	shalt  }
0x4a: {  	_ =	shalt  }
0x4b: {  	_ =	shalt  }
0x4c: {  	_ =	shalt  }
0x4d: {  	_ =	shalt  }
0x4e: {  	_ =	shalt  }
0x4f: {  	_ =	shalt  }
0x50: {  	_ =	shalt  }
0x51: {  	_ =	shalt  }
0x52: {  	_ =	shalt  }
0x53: {  	_ =	shalt  }
0x54: {  	_ =	shalt  }
0x55: {  	_ =	shalt  }
0x56: {  	_ =	shalt  }
0x57: {  	_ =	shalt  }
0x58: {  	_ =	shalt  }
0x59: {  	_ =	shalt  }
0x5a: {  	_ =	shalt  }
0x5b: {  	_ =	shalt  }
0x5c: {  	_ =	shalt  }
0x5d: {  	_ =	shalt  }
0x5e: {  	_ =	shalt  }
0x5f: {  	_ =	shalt  }
0x60: {  	_ =	shalt  }
0x61: {  	_ =	shalt  }
0x62: {  	_ =	shalt  }
0x63: {  	_ =	shalt  }
0x64: {  	_ =	shalt  }
0x65: {  	_ =	shalt  }
0x66: {  	_ =	shalt  }
0x67: {  	_ =	shalt  }
0x68: {  	_ =	shalt  }
0x69: {  	_ =	shalt  }
0x6a: {  	_ =	shalt  }
0x6b: {  	_ =	shalt  }
0x6c: {  	_ =	shalt  }
0x6d: {  	_ =	shalt  }
0x6e: {  	_ =	shalt  }
0x6f: {  	_ =	shalt  }
0x70: {  	_ =	shalt  }
0x71: {  	_ =	shalt  }
0x72: {  	_ =	shalt  }
0x73: {  	_ =	shalt  }
0x74: {  	_ =	shalt  }
0x75: {  	_ =	shalt  }
0x76: {  	_ =	shalt  }
0x77: {  	_ =	shalt  }
0x78: {  	_ =	shalt  }
0x79: {  	_ =	shalt  }
0x7a: {  	_ =	shalt  }
0x7b: {  	_ =	shalt  }
0x7c: {  	_ =	shalt  }
0x7d: {  	_ =	shalt  }
0x7e: {  	_ =	shalt  }
0x7f: {  	_ =	shalt  }
0x80: {  	_ =	shalt  }
0x81: {  	_ =	shalt  }
0x82: {  	_ =	shalt  }
0x83: {  	_ =	shalt  }
0x84: {  	_ =	shalt  }
0x85: {  	_ =	shalt  }
0x86: {  	_ =	shalt  }
0x87: {  	_ =	shalt  }
.Lfunc_end0:
.L_simem_size_0:
called_computation_lowered:
.L_overlay_start_0:
0x88: {  	s2 =	sld [smem:$0x3FD9]  }
0x89: {  	s3 =	sld [smem:$0x3FFE];
	_ =	sdelay $0x1  }
0x8a: {  	s1 =	srdreg.scid  }
0x8b: {  	s0 =	sand.u32 $0x1, s1  }
0x8c: {  	s14 =	sshll.u32 s0, $0xA;
	s2 =	sadd.s32 s3, s2  }
0x8d: {  	s2 =	sadd.s32 s2, s14  }
0x8e: {  	[smem:$0x3FC5] =	sst s2  }
0x8f: {  	_ = 	snop  }
0x90: {  	s2 =	sld [smem:$0x3FD0];
	_ =	sdelay $0x2  }
0x91: {  	s15 =	simm.s32 $0xA;
	s4 =	simm.s32 $0x10  }
0x92: {  	[smem:s4], [sflag:s15] =	dma.local [hbm:s2], $0x1  }
0x93: {  	_ =	swait.eq [sflag:s15], $0x1  }
0x94: {  	[sflag:s15] =	ssyncset.done $0x0  }
0x95: {  	s16 =	sld [smem:$0x10];
	[sflag:s15] =	ssyncadd.s32 $0xFFFFFFFF  }
0x96: {  	s17 =	sld [smem:$0x13];
	(tm) =	ssettm $0x1  }
0x97: {  	s18 =	sld [smem:$0x3FFB];
	_ =	sdelay $0x3  }
0x98: {  	_ =	strace s18  }
0x99: {  	s4 =	sld [smem:$0x3FFC];
	_ =	sdelay $0x3  }
0x9a: {  	_ =	strace s4  }
0x9b: {  	s4 =	sld [smem:$0x3FFD];
	_ =	sdelay $0x3  }
0x9c: {  	_ =	strace s4  }
0x9d: {  	_ =	strace $0x8FFFFFFF  }
0x9e: {  	s19 =	sld [smem:$0x3FDB];
	_ =	sdelay $0x1  }
0x9f: {  	s5 =	simm.s32 $_scs_section_size  }
0xa0: {  	s6 =	simm.s32 $_size__tile_overlayer_lowered;
	s7 =	simm.s32 $_tile_overlayer_lowered  }
0xa1: {  	s22 =	simm.s32 $0x1BFF;
	s21 =	sshll.u32 s7, $0x1;
	s4 =	sadd.s32 s5, s19  }
0xa2: {  	s8 =	simm.s32 $0x0;
	s20 =	sshll.u32 s6, $0x1;
	s6 =	sadd.s32 s21, s4  }
0xa3: {  	[timem:s8], [sflag:s22] =	dma.local [hbm:s6], s20  }
0xa4: {  	_ =	swait.ge [sflag:s22], s20  }
0xa5: {  	s5 =	ssub.s32 $0x0, s20;
	[sflag:s22] =	ssyncset.done $0x0  }
0xa6: {  	[sflag:s22] =	ssyncadd.s32 s5;
	_ =	sdelay $0x1  }
0xa7: {  	s23 =	simm.s32 $0x1B8B  }
0xa8: {  	_ =	swait.ge [sflag:s23], $0x1  }
0xa9: {  	[sflag:s23] =	ssyncset.done $0x0  }
0xaa: {  	s25 =	simm.s32 $0x1B8E;
	s24 =	sld [smem:$0x3FFE];
	[sflag:s23] =	ssyncadd.s32 $0xFFFFFFFF  }
0xab: {  	s26 =	simm.s32 $execute0_lowered;
	[smem:$0x3FD2] =	sst s25  }
0xac: {  	s6 =	sshll.u32 s26, $0x1;
	_ =	strace $0x80000046;
	[dreg:$0x1] =	wrdreg $0xFFFFFFFF  }
0xad: {  	s28 =	simm.s32 $_size_execute0_lowered;
	s4 =	sadd.s32 s4, s6;
	[dreg:$0x0] =	wrdreg $0x0  }
0xae: {  	s6 =	sshll.u32 s28, $0x1;
	[dreg:$0x2] =	wrdreg s4  }
0xaf: {  	[dreg:$0x3] =	wrdreg s6  }
0xb0: {  	[dreg:$0x4] =	wrdreg $0xC0  }
0xb1: {  	_ =	task [dreg:s8], $0x5FFFF  }
0xb2: {  	[dreg:$0x1] =	wrdreg $0xFFFFFFFF  }
0xb3: {  	[dreg:$0x0] =	wrdreg $0x60  }
0xb4: {  	[dreg:$0x2] =	wrdreg s16  }
0xb5: {  	[dreg:$0x3] =	wrdreg s17  }
0xb6: {  	[dreg:$0x4] =	wrdreg s24  }
0xb7: {  	[dreg:$0x5] =	wrdreg $0x9  }
0xb8: {  	_ =	task.clear_ibuf [dreg:s8], $0x6FFFF;
	_ =	strace $0x90000046  }
0xb9: {  	s29 =	simm.s32 $0x9;
	_ =	strace $0x80000048  }
0xba: {  	_ =	swait.ge [sflag:s29], $0x1  }
0xbb: {  	[sflag:s29] =	ssyncadd.s32 $0xFFFFFFFF  }
0xbc: {  	_ =	strace $0x90000048  }
0xbd: {  	_ =	sfence  }
0xbe: {  	s30 =	sld [smem:$0x0];
	_ =	sdelay $0x2  }
0xbf: {  	s31 =	sshll.u32 s1, $0xD;
	s1 =	sshrl.u32 s1, $0x2  }
0xc0: {  	s3 =	sand.u32 $0x4000, s31;
	s1 =	sadd.s32 s1, s30  }
0xc1: {  	s0 =	sor.u32 s3, s0;
	s1 =	sshll.u32 s1, $0x11  }
0xc2: {  	s0 =	sor.u32 s1, s0  }
0xc3: {  	s0 =	sadd.s32 $0x8F2B, s0  }
0xc4: {  	[sflag:s0] =	ssyncadd.remote.s32 $0x1  }
0xc5: {  	_ =	sfence.sel $0xFFFF  }
0xc6: {  	[dreg:$0x0] =	wrdreg $0xFFFFFFFF;
	(pc) =	sbr.abs _section_cstart, $3  }
0xc7: {  	[dreg:$0x1] =	wrdreg $0xFFFFFFFF  }
0xc8: {  	_ =	task.clear_ibuf [dreg:s8], $0x2FFFF;
	_ =	strace $0x9FFFFFFF  }
0xc9: {  	(tm) =	ssettm $0x7FFFFFFF  }
tec
execute0_lowered:
.L_overlay_start_1:
0x0: {  	(tag) =	ssettag $0x1  }
0x1: {  	s1 =	rddreg [dreg:$0x0]  }
0x2: {  	s2 =	srdreg.scid;
	s4 =	rddreg [dreg:$0x1]  }
0x3: {  	s0 =	stileid.u32;
	s8 =	rddreg [dreg:$0x2];
	s6 =	sand.u32 $0x1, s2  }
0x4: {  	s3 =	simm.s32 $0x0;
	s5 =	sshll.u32 s0, $0xA;
	s7 =	sshll.u32 s6, $0x9  }
0x5: {  	[smem:$0x7FF] =	sst s3;
	s9 =	sor.u32 s7, s5  }
0x6: {  	s2 =	rddreg [dreg:$0x3];
	_ =	strace $0x80000047;
	s5 =	sshrl.u32 s9, $0x3  }
0x7: {  	s10 =	ssub.s32 $0x2, s6;
	s5 =	sadd.s32 s4, s5;
	s4 =	simm.s32 $0x2  }
0x8: {  	[tilespmem:s3], [sflag:$0x2] =	stream.linear.gather [hbm4b:s5+s3], $0x200, $0x38;
	[tilespmem:$0x10200] =	vst v63  }
0x9: {  	s11 =	sshrl.u32 s10, $0x1;
	_ =	swait.ge [sflag:s4], $0x200  }
0xa: {  	s6 =	simm.s32 $0x200;
	s10 =	ssub.s32 s10, s11;
	[sflag:s4] =	ssyncset.done $0x0  }
0xb: {  	s7 =	simm.s32 $0x1;
	s31 =	smax.u32 s10, $0x1;
	[sflag:s4] =	ssyncadd.s32 $0xFFFFFE00  }
0xc: {  	[tilespmem:s6], [sflag:$0x1] =	stream.indirect.gather [hbm4b:s1+s6], $0x80, s3, s6, $0xb8;
	[tilespmem:$0x10200] =	vst v63  }
0xd: {  	p0 =	sne.s32 s31, $0x1;
	_ =	swait.ge [sflag:s7], $0x10000  }
.Ltmp0:
0xe: {  	s9 =	sshll.u32 s9, $0x4;
	[sflag:s7] =	ssyncset.done $0x0;
	(pc) =	sbr.rel @!p0 .LBB2_2-.Ltmp0, $4  }
0xf: {  	s8 =	sadd.s32 s8, s9;
	[sflag:s7] =	ssyncadd.s32 $0xFFFF0000  }
0x10: {  	[hbm4b:s8+s3] =	stream.linear.scatter [tilespmem:s6], [sflag:$0x2], $0x10000, $0x38;
	[tilespmem:$0x10200] =	vst v63  }
0x11: {  	_ =	swait.ge [sflag:s4], $0x10000  }
0x12: {  	s9 =	sadd.s32 $0xFFFFFFFF, s31;
	[sflag:s4] =	ssyncset.done $0x0  }
.LBB2_1:
0x13: {  	p0 =	sne.s32 s9, $0x1;
	s9 =	sadd.s32 $0xFFFFFFFF, s9;
	[sflag:s4] =	ssyncadd.s32 $0xFFFF0000  }
0x14: {  	[tilespmem:s3], [sflag:$0x2] =	stream.linear.gather [hbm4b:s5+s3], $0x200, $0x38;
	[tilespmem:$0x10200] =	vst v63  }
0x15: {  	_ =	swait.ge [sflag:s4], $0x200  }
0x16: {  	[sflag:s4] =	ssyncset.done $0x0  }
0x17: {  	[sflag:s4] =	ssyncadd.s32 $0xFFFFFE00  }
0x18: {  	[tilespmem:s6], [sflag:$0x1] =	stream.indirect.gather [hbm4b:s1+s6], $0x80, s3, s6, $0xb8;
	[tilespmem:$0x10200] =	vst v63  }
0x19: {  	_ =	swait.ge [sflag:s7], $0x10000  }
.Ltmp1:
0x1a: {  	[sflag:s7] =	ssyncset.done $0x0;
	(pc) =	sbr.rel @p0 .LBB2_1-.Ltmp1, $4  }
0x1b: {  	[sflag:s7] =	ssyncadd.s32 $0xFFFF0000  }
0x1c: {  	[hbm4b:s8+s3] =	stream.linear.scatter [tilespmem:s6], [sflag:$0x2], $0x10000, $0x38;
	[tilespmem:$0x10200] =	vst v63  }
0x1d: {  	_ =	swait.ge [sflag:s4], $0x10000  }
0x1e: {  	[sflag:s4] =	ssyncset.done $0x0  }
.LBB2_2:
0x1f: {  	[sflag:s4] =	ssyncadd.s32 $0xFFFF0000  }
0x20: {  	_ =	sfence.sel $0x180000  }
0x21: {  	[bflag:$0x0] =	sbarrier.arrive $0xFFFF  }
0x22: {  	p0 =	sne.s32 s0, $0x0;
	_ =	strace $0x90000047  }
0x23: {  	s0 =	sadd.s32 @!p0 $0x100000, s2;
	[bflag:$0x2] =	sbarrier.arrive $0xFFFF  }
0x24: {  	[sflag:s0] =	ssyncadd.tile.s32 @!p0 $0x1;
	_ =	shalt  }
.Lfunc_end2:
_tile_overlayer_lowered:
.L_overlay_start_2:
0x25: {  	(tag) =	ssettag $0x2  }
0x26: {  	s0 =	rddreg [dreg:$0x0];
	s2 =	stileid.u32  }
0x27: {  	s1 =	rddreg [dreg:$0x1];
	p0 =	sne.s32 s2, $0x0  }
0x28: {  	s3 =	rddreg [dreg:$0x2];
	[bflag:$0x3] =	sbarrier.arrive $0xFFFF;
	s2 =	simm.s32 @!p0 $0x1C02  }
0x29: {  	[timem:s3], [sflag:s2] =	dma.local @!p0 [hbm:s0], s1  }
0x2a: {  	s0 =	simm.s32 @!p0 $0x2  }
0x2b: {  	_ =	swait.ge @!p0 [sflag:s0], s1  }
0x2c: {  	s1 =	ssub.s32 @!p0 $0x0, s1;
	[sflag:s0] =	ssyncset.done @!p0 $0x0  }
0x2d: {  	[sflag:s0] =	ssyncadd.s32 @!p0 s1  }
0x2e: {  	[bflag:$0x3] =	sbarrier.arrive $0xFFFF  }
0x2f: {  	_ =	shalt  }

</sc_bundles>
